<compile_context>
chip_gen: v7x
topology: tpu7x:2x2x1
jax: 0.10.2.dev20260603
libtpu: 0.0.44.dev20260713+nightly
codegen_flags: <defaults>
</compile_context>

<pallas_src>
import functools
import jax
import jax.numpy as jnp
from jax import lax
from jax.experimental import pallas as pl
from jax.experimental.pallas import tpu as pltpu
from jax.experimental.pallas import tpu_sc as plsc

_N = 50000
_C_IN = 128
_C_OUT = 128
_T = 8
_BLOCK = 6256

_G = 50048
_CHUNK = 128
_NCHUNKS = _G // _CHUNK
_NW = 32


def _sc_gather(x, idx):
    mesh = plsc.VectorSubcoreMesh(core_axis_name="c", subcore_axis_name="s")

    @functools.partial(
        pl.kernel, mesh=mesh,
        out_type=jax.ShapeDtypeStruct((_G, _C_IN), jnp.float32),
        scratch_types=[
            pltpu.VMEM((_CHUNK,), jnp.int32),
            pltpu.VMEM((_CHUNK, _C_IN), jnp.float32),
            pltpu.SemaphoreType.DMA,
        ],
    )
    def k(x_hbm, idx_hbm, out_hbm, idx_v, rows_v, sem):
        wid = lax.axis_index("s") * 2 + lax.axis_index("c")

        def body(c, _):
            gid = c * _NW + wid

            @pl.when(gid < _NCHUNKS)
            def _():
                base = gid * _CHUNK
                pltpu.sync_copy(idx_hbm.at[pl.ds(base, _CHUNK)], idx_v)
                pltpu.async_copy(x_hbm.at[idx_v], rows_v, sem).wait()
                pltpu.sync_copy(rows_v, out_hbm.at[pl.ds(base, _CHUNK)])

            return ()

        lax.fori_loop(0, (_NCHUNKS + _NW - 1) // _NW, body, ())

    return k(x, idx)


def _body(x_ref, t_ref, w_ref, o_ref):
    n = x_ref.shape[0]
    xb = jnp.concatenate(
        [x_ref[...].astype(jnp.bfloat16),
         jnp.ones((n, 8), jnp.bfloat16)], axis=1)
    tv = jnp.transpose(t_ref[...].reshape(1, n), (1, 0))
    yflat = jnp.dot(xb, w_ref[...], preferred_element_type=jnp.float32)
    ys = [yflat[:, t * _C_OUT:(t + 1) * _C_OUT] for t in range(_T)]
    m0 = (tv & 1) != 0
    m1 = (tv & 2) != 0
    m2 = (tv & 4) != 0
    a0 = jnp.where(m0, ys[1], ys[0])
    a1 = jnp.where(m0, ys[3], ys[2])
    a2 = jnp.where(m0, ys[5], ys[4])
    a3 = jnp.where(m0, ys[7], ys[6])
    c0 = jnp.where(m1, a1, a0)
    c1 = jnp.where(m1, a3, a2)
    o_ref[...] = jnp.where(m2, c1, c0)


def kernel(x, type_vec, W, b):
    n = x.shape[0]
    idx = jnp.minimum(jnp.arange(_G, dtype=jnp.int32), n - 1)
    xg = _sc_gather(x, idx)

    grid = _G // _BLOCK
    tpad = jnp.concatenate(
        [type_vec, jnp.zeros((_G - n,), type_vec.dtype)])
    t3 = tpad.reshape(grid, 1, _BLOCK)
    w2 = jnp.concatenate(
        [W, b[:, None, :], jnp.zeros((_T, 7, _C_OUT), W.dtype)], axis=1)
    wb = w2.astype(jnp.bfloat16).transpose(1, 0, 2).reshape(
        _C_IN + 8, _T * _C_OUT)
    return pl.pallas_call(
        _body,
        grid=(grid,),
        in_specs=[
            pl.BlockSpec((_BLOCK, _C_IN), lambda i: (i, 0)),
            pl.BlockSpec((1, 1, _BLOCK), lambda i: (i, 0, 0)),
            pl.BlockSpec((_C_IN + 8, _T * _C_OUT), lambda i: (0, 0)),
        ],
        out_specs=pl.BlockSpec((_BLOCK, _C_OUT), lambda i: (i, 0)),
        out_shape=jax.ShapeDtypeStruct((n, _C_OUT), jnp.float32),
        compiler_params=pltpu.CompilerParams(
            dimension_semantics=("parallel",)),
    )(xg, t3, wb)

# --- scband reference (transcript-rebuilt; emitter-appended) ---
"""Pipeline reference for scband-hetero-linear-50508815401264 (READ-ONLY COPY).

The authoritative reference and input builder live on the scoring server;
editing this copy changes nothing except your own understanding.
"""

import jax, jax.numpy as jnp
import numpy as np

N = 50000
C_IN = 128
C_OUT = 128
T = 8


def setup_inputs(seed: int = 0) -> dict:
    key = jax.random.key(seed)
    k1, k2, k3, k4 = jax.random.split(key, 4)
    x = jax.random.normal(k1, (N, C_IN), dtype=jnp.float32)
    type_vec = jax.random.randint(k2, (N,), 0, T, dtype=jnp.int32)
    # kaiming_uniform-style init (fan_in = C_IN), matching torch Linear defaults
    bound_w = float(np.sqrt(6.0 / ((1.0 + 5.0) * C_IN)))
    W = jax.random.uniform(k3, (T, C_IN, C_OUT), minval=-bound_w, maxval=bound_w, dtype=jnp.float32)
    bound_b = 1.0 / float(np.sqrt(C_IN))
    b = jax.random.uniform(k4, (T, C_OUT), minval=-bound_b, maxval=bound_b, dtype=jnp.float32)
    return {"x": x, "type_vec": type_vec, "W": W, "b": b}


def reference(x, type_vec, W, b):
    # HeteroLinear: out[i] = x[i] @ W[type_vec[i]] + b[type_vec[i]]
    # Implemented as per-type masked matmuls (equivalent math to segment_matmul,
    # but preserving the original token order like the non-pyg_lib fallback path).
    num_types = W.shape[0]
    out = jnp.zeros((x.shape[0], W.shape[2]), dtype=x.dtype)
    for t in range(num_types):
        mask = (type_vec == t)[:, None]
        out = out + jnp.where(mask, x @ W[t] + b[t], jnp.zeros((), dtype=x.dtype))
    return out

if __name__ == "__main__":
    import jax
    _d = setup_inputs()
    print(jax.jit(kernel)(*tuple(_d.values())))

</pallas_src>

<mosaic_0001>
#map = affine_map<(d0, d1) -> (0, 0)>
#map1 = affine_map<(d0, d1) -> (0)>
module attributes {stable_mosaic.version = 14 : i64} {
  func.func @k(%arg0: i32, %arg1: i32, %arg2: memref<50000x128xf32, #tpu.memory_space<hbm>>, %arg3: memref<50048xi32, #tpu.memory_space<hbm>>, %arg4: memref<50048x128xf32, #tpu.memory_space<hbm>>, %arg5: memref<128xi32, #tpu.memory_space<vmem>>, %arg6: memref<128x128xf32, #tpu.memory_space<vmem>>, %arg7: memref<!tpu.dma_semaphore, #tpu.memory_space<semaphore_mem>>) attributes {dimension_semantics = [#tpu.dimension_semantics<core_parallel>, #tpu.dimension_semantics<subcore_parallel>], iteration_bounds = array<i64: 2, 16>, scalar_prefetch = 0 : i64, scratch_operands = 3 : i64, tpu.core_type = #tpu.core_type<sc_vector_subcore>, window_params = [{transform_indices = #map}, {transform_indices = #map1}, {transform_indices = #map}]} {
    %mul3A = arith.constant 2 : i32
    %mul3A_0 = arith.muli %arg1, %mul3A : i32
    %add3A = arith.addi %mul3A_0, %arg0 : i32
    %scan3A = arith.constant 0 : i32
    %scan3A_1 = arith.constant 13 : i32
    %scan3A_2 = arith.addi %scan3A, %scan3A_1 : i32
    %scan3A_3 = arith.constant 1 : i32
    scf.for %scan3A_5 = %scan3A to %scan3A_2 step %scan3A_3  : i32 {
      %mul3A_6 = arith.constant 32 : i32
      %mul3A_7 = arith.muli %scan3A_5, %mul3A_6 : i32
      %add3A_8 = arith.addi %mul3A_7, %add3A : i32
      %lt3A = arith.constant 391 : i32
      %lt3A_9 = arith.cmpi slt, %add3A_8, %lt3A : i32
      %convert_element_type3A = arith.extui %lt3A_9 : i1 to i32
      %cond3A = arith.constant 0 : i32
      %cond3A_10 = arith.cmpi ne, %convert_element_type3A, %cond3A : i32
      scf.if %cond3A_10 {
        %mul3A_11 = arith.constant 128 : i32
        %mul3A_12 = arith.muli %add3A_8, %mul3A_11 : i32
        "tpu.region"() ({
          %run_scoped3A = tpu.sem_alloc : memref<!tpu.dma_semaphore, #tpu.memory_space<semaphore_mem>>
          %dma_start3A_17 = tpu.memref_slice %arg3[%mul3A_12] : memref<50048xi32, #tpu.memory_space<hbm>> -> memref<128xi32, #tpu.memory_space<hbm>>
          %dma_start3A_18 = tpu.memref_slice %arg3[%mul3A_12] : memref<50048xi32, #tpu.memory_space<hbm>> -> memref<128xi32, #tpu.memory_space<hbm>>
          tpu.enqueue_dma source(%dma_start3A_18 : memref<128xi32, #tpu.memory_space<hbm>>) target(%arg5 : memref<128xi32, #tpu.memory_space<vmem>>) target_semaphore(%run_scoped3A : memref<!tpu.dma_semaphore, #tpu.memory_space<semaphore_mem>>)
          %dma_wait3A_19 = tpu.memref_slice %arg3[%mul3A_12] : memref<50048xi32, #tpu.memory_space<hbm>> -> memref<128xi32, #tpu.memory_space<hbm>>
          %dma_wait3A_20 = tpu.memref_slice %arg3[%mul3A_12] : memref<50048xi32, #tpu.memory_space<hbm>> -> memref<128xi32, #tpu.memory_space<hbm>>
          tpu.wait_dma2 semaphore(%run_scoped3A : memref<!tpu.dma_semaphore, #tpu.memory_space<semaphore_mem>>) src(%dma_wait3A_20 : memref<128xi32, #tpu.memory_space<hbm>>) dst(%arg5 : memref<128xi32, #tpu.memory_space<vmem>>)
          tpu.yield
        }) : () -> ()
        %dma_start3A = arith.constant 0 : i32
        %dma_start3A_13 = arith.constant 0 : i32
        %dma_start3A_14 = tpu.memref_slice %arg2[%dma_start3A, %dma_start3A_13] : memref<50000x128xf32, #tpu.memory_space<hbm>> -> memref<50000x128xf32, #tpu.memory_space<hbm>>
        tpu.enqueue_indirect_dma source(%dma_start3A_14 : memref<50000x128xf32, #tpu.memory_space<hbm>>) target(%arg6 : memref<128x128xf32, #tpu.memory_space<vmem>>) offsets(%arg5 : memref<128xi32, #tpu.memory_space<vmem>>) semaphore(%arg7 : memref<!tpu.dma_semaphore, #tpu.memory_space<semaphore_mem>>)
        %dma_wait3A = arith.constant 0 : i32
        %dma_wait3A_15 = arith.constant 0 : i32
        %dma_wait3A_16 = tpu.memref_slice %arg2[%dma_wait3A, %dma_wait3A_15] : memref<50000x128xf32, #tpu.memory_space<hbm>> -> memref<50000x128xf32, #tpu.memory_space<hbm>>
        tpu.wait_indirect_dma semaphore(%arg7 : memref<!tpu.dma_semaphore, #tpu.memory_space<semaphore_mem>>) src(%dma_wait3A_16 : memref<50000x128xf32, #tpu.memory_space<hbm>>) dst(%arg6 : memref<128x128xf32, #tpu.memory_space<vmem>>)
        "tpu.region"() ({
          %run_scoped3A = tpu.sem_alloc : memref<!tpu.dma_semaphore, #tpu.memory_space<semaphore_mem>>
          %dma_start3A_17 = arith.constant 0 : i32
          %dma_start3A_18 = tpu.memref_slice %arg4[%mul3A_12, %dma_start3A_17] : memref<50048x128xf32, #tpu.memory_space<hbm>> -> memref<128x128xf32, #tpu.memory_space<hbm>>
          %dma_start3A_19 = arith.constant 0 : i32
          %dma_start3A_20 = tpu.memref_slice %arg4[%mul3A_12, %dma_start3A_19] : memref<50048x128xf32, #tpu.memory_space<hbm>> -> memref<128x128xf32, #tpu.memory_space<hbm>>
          tpu.enqueue_dma source(%arg6 : memref<128x128xf32, #tpu.memory_space<vmem>>) target(%dma_start3A_20 : memref<128x128xf32, #tpu.memory_space<hbm>>) target_semaphore(%run_scoped3A : memref<!tpu.dma_semaphore, #tpu.memory_space<semaphore_mem>>)
          %dma_wait3A_21 = arith.constant 0 : i32
          %dma_wait3A_22 = tpu.memref_slice %arg4[%mul3A_12, %dma_wait3A_21] : memref<50048x128xf32, #tpu.memory_space<hbm>> -> memref<128x128xf32, #tpu.memory_space<hbm>>
          %dma_wait3A_23 = arith.constant 0 : i32
          %dma_wait3A_24 = tpu.memref_slice %arg4[%mul3A_12, %dma_wait3A_23] : memref<50048x128xf32, #tpu.memory_space<hbm>> -> memref<128x128xf32, #tpu.memory_space<hbm>>
          tpu.wait_dma2 semaphore(%run_scoped3A : memref<!tpu.dma_semaphore, #tpu.memory_space<semaphore_mem>>) src(%arg6 : memref<128x128xf32, #tpu.memory_space<vmem>>) dst(%dma_wait3A_24 : memref<128x128xf32, #tpu.memory_space<hbm>>)
          tpu.yield
        }) : () -> ()
      } else {
      }
    }
    %scan3A_4 = arith.constant 13 : i32
    return
  }
}

module attributes {stable_mosaic.version = 14 : i64} {
  func.func @_body(%arg0: i32, %arg1: memref<6256x128xf32, #tpu.memory_space<vmem>>, %arg2: memref<1x1x6256xi32, #tpu.memory_space<vmem>>, %arg3: memref<136x1024xbf16, #tpu.memory_space<vmem>>, %arg4: memref<6256x128xf32, #tpu.memory_space<vmem>>) attributes {dimension_semantics = [#tpu.dimension_semantics<parallel>], iteration_bounds = array<i64: 8>, scalar_prefetch = 0 : i64, scratch_operands = 0 : i64, tpu.core_type = #tpu.core_type<tc>, window_params = [{transform_indices = @transform_0, window_bounds = array<i64: 6256, 128>}, {transform_indices = @transform_1, window_bounds = array<i64: 1, 1, 6256>}, {pipeline_mode = #tpu.pipeline_mode<synchronous>, transform_indices = @transform_2, window_bounds = array<i64: 136, 1024>}, {transform_indices = @transform_3, window_bounds = array<i64: 6256, 128>}]} {
    %get3A = arith.constant 0 : index
    %get3A_0 = arith.constant 0 : index
    %get3A_1 = vector.load %arg1[%get3A, %get3A_0] : memref<6256x128xf32, #tpu.memory_space<vmem>>, vector<6256x128xf32>
    %convert_element_type3A = arith.truncf %get3A_1 : vector<6256x128xf32> to vector<6256x128xbf16>
    %broadcast_in_dim3A = arith.constant 1.000000e+00 : bf16
    %broadcast_in_dim3A_2 = vector.broadcast %broadcast_in_dim3A : bf16 to vector<6256x8xbf16>
    %concatenate3A = tpu.concatenate %convert_element_type3A, %broadcast_in_dim3A_2 in 1 : vector<6256x128xbf16>, vector<6256x8xbf16> -> vector<6256x136xbf16>
    %get3A_3 = arith.constant 0 : index
    %get3A_4 = arith.constant 0 : index
    %get3A_5 = arith.constant 0 : index
    %get3A_6 = vector.load %arg2[%get3A_3, %get3A_4, %get3A_5] : memref<1x1x6256xi32, #tpu.memory_space<vmem>>, vector<1x1x6256xi32>
    %reshape3A = vector.shape_cast %get3A_6 : vector<1x1x6256xi32> to vector<1x6256xi32>
    %transpose3A = tpu.transpose %reshape3A, [1, 0] : vector<1x6256xi32> -> vector<6256x1xi32>
    %get3A_7 = arith.constant 0 : index
    %get3A_8 = arith.constant 0 : index
    %get3A_9 = vector.load %arg3[%get3A_7, %get3A_8] : memref<136x1024xbf16, #tpu.memory_space<vmem>>, vector<136x1024xbf16>
    %dot_general3A = arith.constant dense<0.000000e+00> : vector<6256x1024xf32>
    %dot_general3A_10 = tpu.matmul %concatenate3A, %get3A_9, %dot_general3A {dimension_numbers = #tpu.dot_dimension_numbers<[1], [0], [0], [1], [0, 0, 1, 1], [], []>, transpose_lhs_hint = false} : vector<6256x136xbf16>, vector<136x1024xbf16>, vector<6256x1024xf32> -> vector<6256x1024xf32>
    %slice3A = vector.extract_strided_slice %dot_general3A_10 {offsets = [0, 0], sizes = [6256, 128], strides = [1, 1]} : vector<6256x1024xf32> to vector<6256x128xf32>
    %slice3A_11 = vector.extract_strided_slice %dot_general3A_10 {offsets = [0, 128], sizes = [6256, 128], strides = [1, 1]} : vector<6256x1024xf32> to vector<6256x128xf32>
    %slice3A_12 = vector.extract_strided_slice %dot_general3A_10 {offsets = [0, 256], sizes = [6256, 128], strides = [1, 1]} : vector<6256x1024xf32> to vector<6256x128xf32>
    %slice3A_13 = vector.extract_strided_slice %dot_general3A_10 {offsets = [0, 384], sizes = [6256, 128], strides = [1, 1]} : vector<6256x1024xf32> to vector<6256x128xf32>
    %slice3A_14 = vector.extract_strided_slice %dot_general3A_10 {offsets = [0, 512], sizes = [6256, 128], strides = [1, 1]} : vector<6256x1024xf32> to vector<6256x128xf32>
    %slice3A_15 = vector.extract_strided_slice %dot_general3A_10 {offsets = [0, 640], sizes = [6256, 128], strides = [1, 1]} : vector<6256x1024xf32> to vector<6256x128xf32>
    %slice3A_16 = vector.extract_strided_slice %dot_general3A_10 {offsets = [0, 768], sizes = [6256, 128], strides = [1, 1]} : vector<6256x1024xf32> to vector<6256x128xf32>
    %slice3A_17 = vector.extract_strided_slice %dot_general3A_10 {offsets = [0, 896], sizes = [6256, 128], strides = [1, 1]} : vector<6256x1024xf32> to vector<6256x128xf32>
    %and3A = arith.constant 1 : i32
    %and3A_18 = vector.broadcast %and3A : i32 to vector<6256x1xi32>
    %and3A_19 = arith.andi %transpose3A, %and3A_18 : vector<6256x1xi32>
    %ne3A = arith.constant 0 : i32
    %ne3A_20 = vector.broadcast %ne3A : i32 to vector<6256x1xi32>
    %ne3A_21 = arith.cmpi ne, %and3A_19, %ne3A_20 : vector<6256x1xi32>
    %and3A_22 = arith.constant 2 : i32
    %and3A_23 = vector.broadcast %and3A_22 : i32 to vector<6256x1xi32>
    %and3A_24 = arith.andi %transpose3A, %and3A_23 : vector<6256x1xi32>
    %ne3A_25 = arith.constant 0 : i32
    %ne3A_26 = vector.broadcast %ne3A_25 : i32 to vector<6256x1xi32>
    %ne3A_27 = arith.cmpi ne, %and3A_24, %ne3A_26 : vector<6256x1xi32>
    %and3A_28 = arith.constant 4 : i32
    %and3A_29 = vector.broadcast %and3A_28 : i32 to vector<6256x1xi32>
    %and3A_30 = arith.andi %transpose3A, %and3A_29 : vector<6256x1xi32>
    %ne3A_31 = arith.constant 0 : i32
    %ne3A_32 = vector.broadcast %ne3A_31 : i32 to vector<6256x1xi32>
    %ne3A_33 = arith.cmpi ne, %and3A_30, %ne3A_32 : vector<6256x1xi32>
    %broadcast_in_dim3A_34 = vector.shape_cast %ne3A_21 : vector<6256x1xi1> to vector<6256x1xi1>
    %broadcast_in_dim3A_35 = vector.broadcast %broadcast_in_dim3A_34 : vector<6256x1xi1> to vector<6256x128xi1>
    %select_n3A = arith.select %broadcast_in_dim3A_35, %slice3A_11, %slice3A : vector<6256x128xi1>, vector<6256x128xf32>
    %broadcast_in_dim3A_36 = vector.shape_cast %ne3A_21 : vector<6256x1xi1> to vector<6256x1xi1>
    %broadcast_in_dim3A_37 = vector.broadcast %broadcast_in_dim3A_36 : vector<6256x1xi1> to vector<6256x128xi1>
    %select_n3A_38 = arith.select %broadcast_in_dim3A_37, %slice3A_13, %slice3A_12 : vector<6256x128xi1>, vector<6256x128xf32>
    %broadcast_in_dim3A_39 = vector.shape_cast %ne3A_21 : vector<6256x1xi1> to vector<6256x1xi1>
    %broadcast_in_dim3A_40 = vector.broadcast %broadcast_in_dim3A_39 : vector<6256x1xi1> to vector<6256x128xi1>
    %select_n3A_41 = arith.select %broadcast_in_dim3A_40, %slice3A_15, %slice3A_14 : vector<6256x128xi1>, vector<6256x128xf32>
    %broadcast_in_dim3A_42 = vector.shape_cast %ne3A_21 : vector<6256x1xi1> to vector<6256x1xi1>
    %broadcast_in_dim3A_43 = vector.broadcast %broadcast_in_dim3A_42 : vector<6256x1xi1> to vector<6256x128xi1>
    %select_n3A_44 = arith.select %broadcast_in_dim3A_43, %slice3A_17, %slice3A_16 : vector<6256x128xi1>, vector<6256x128xf32>
    %broadcast_in_dim3A_45 = vector.shape_cast %ne3A_27 : vector<6256x1xi1> to vector<6256x1xi1>
    %broadcast_in_dim3A_46 = vector.broadcast %broadcast_in_dim3A_45 : vector<6256x1xi1> to vector<6256x128xi1>
    %select_n3A_47 = arith.select %broadcast_in_dim3A_46, %select_n3A_38, %select_n3A : vector<6256x128xi1>, vector<6256x128xf32>
    %broadcast_in_dim3A_48 = vector.shape_cast %ne3A_27 : vector<6256x1xi1> to vector<6256x1xi1>
    %broadcast_in_dim3A_49 = vector.broadcast %broadcast_in_dim3A_48 : vector<6256x1xi1> to vector<6256x128xi1>
    %select_n3A_50 = arith.select %broadcast_in_dim3A_49, %select_n3A_44, %select_n3A_41 : vector<6256x128xi1>, vector<6256x128xf32>
    %broadcast_in_dim3A_51 = vector.shape_cast %ne3A_33 : vector<6256x1xi1> to vector<6256x1xi1>
    %broadcast_in_dim3A_52 = vector.broadcast %broadcast_in_dim3A_51 : vector<6256x1xi1> to vector<6256x128xi1>
    %select_n3A_53 = arith.select %broadcast_in_dim3A_52, %select_n3A_50, %select_n3A_47 : vector<6256x128xi1>, vector<6256x128xf32>
    %swap3A = arith.constant 0 : index
    %swap3A_54 = arith.constant 0 : index
    %swap3A_55 = vector.load %arg4[%swap3A, %swap3A_54] : memref<6256x128xf32, #tpu.memory_space<vmem>>, vector<6256x128xf32>
    tpu.vector_store %arg4[%swap3A, %swap3A_54], %select_n3A_53 {strides = array<i32>} : memref<6256x128xf32, #tpu.memory_space<vmem>>, vector<6256x128xf32>,
    return
  }
  func.func @transform_0(%arg0: i32) -> (i32, i32) {
    %c0_i32 = arith.constant 0 : i32
    %c0_i32_0 = arith.constant 0 : i32
    return %arg0, %c0_i32 : i32, i32
  }
  func.func @transform_1(%arg0: i32) -> (i32, i32, i32) {
    %c0_i32 = arith.constant 0 : i32
    %c0_i32_0 = arith.constant 0 : i32
    %c0_i32_1 = arith.constant 0 : i32
    return %arg0, %c0_i32, %c0_i32_0 : i32, i32, i32
  }
  func.func @transform_2(%arg0: i32) -> (i32, i32) {
    %c0_i32 = arith.constant 0 : i32
    %c0_i32_0 = arith.constant 0 : i32
    %c0_i32_1 = arith.constant 0 : i32
    return %c0_i32, %c0_i32_0 : i32, i32
  }
  func.func @transform_3(%arg0: i32) -> (i32, i32) {
    %c0_i32 = arith.constant 0 : i32
    %c0_i32_0 = arith.constant 0 : i32
    return %arg0, %c0_i32 : i32, i32
  }
}

</mosaic_0001>

<sc_bundles>
// kernel: kernel.4.cloned.1.call-start
scs
__scs_entry_jumppad:
0x0: {  	(pc) =	sbr.rel $0x88, $3  }
0x1: {  	(tag) =	ssettag $0x0;
	lr =	simm.s32 $0x1  }
0x2: {  	[smem:$0x3F9D] =	sst lr;
	_ =	strace $0xD0000000  }
0x3: {  	_ = 	snop  }
0x4: {  	_ = 	snop  }
0x5: {  	_ = 	snop  }
0x6: {  	_ = 	snop  }
0x7: {  	_ = 	snop  }
__scs_overlays_trampoline_lowered:
0x8: {  	[smem:$0x3FAC] =	sst s0  }
0x9: {  	[smem:$0x3FAD] =	sst s1  }
0xa: {  	[smem:$0x3FAE] =	sst s2  }
0xb: {  	[smem:$0x3FAF] =	sst s3  }
0xc: {  	[smem:$0x3FB0] =	sst s4  }
0xd: {  	[smem:$0x3FB1] =	sst s5  }
0xe: {  	[smem:$0x3FB2] =	sst s6  }
0xf: {  	[smem:$0x3FB3] =	sst s7  }
0x10: {  	[smem:$0x3FB4] =	sst s8  }
0x11: {  	[smem:$0x3FB5] =	sst s9;
	s0 =	simm.s32 @!p0 $0x0  }
0x12: {  	s1 =	sld [smem:$0x3F9B];
	s0 =	simm.s32 @p0 $0x1  }
0x13: {  	[smem:$0x3FB6] =	sst s0;
	s0 =	simm.s32 @!p1 $0x0  }
0x14: {  	s2 =	sld [smem:$0x3F9A];
	s0 =	simm.s32 @p1 $0x1  }
0x15: {  	[smem:$0x3FB7] =	sst s0;
	s0 =	simm.s32 @!p2 $0x0  }
0x16: {  	s3 =	sld [smem:$0x3FDB];
	s0 =	simm.s32 @p2 $0x1  }
0x17: {  	s4 =	simm.s32 $0x1BF5;
	[smem:$0x3FB9] =	sst s0  }
0x18: {  	s0 =	sld [smem:$0x3F9C];
	_ =	swait.ge [sflag:s4], $0x0  }
0x19: {  	s7 =	sld [smem:$0x3F9D]  }
0x1a: {  	s8 =	sadd.s32 $0xFFFFE003, lr  }
0x1b: {  	s9 =	sadd.s32 $0xFFFFFEF7, lr;
	s5 =	simm.s32 $0xFFFFFFFF;
	p2 =	slt.u32 s8, $0xFFFFF086  }
0x1c: {  	p1 =	slt.u32 s9, $0xF7A;
	s5 =	simm.s32 @!p2 $0x0  }
0x1d: {  	s5 =	simm.s32 @p1 $0x1;
	p0 =	seq.s32 s7, s2  }
0x1e: {  	s7 =	smul.u32 @!p0 $0xF7A, s2;
	p2 =	seq.s32 @!p0 s5, $0x0  }
0x1f: {  	s9 =	smul.u32 $0xF7A, s1;
	s8 =	simm.s32 @!p0 $0x1BF5;
	p2 =	por !p2, p0  }
0x20: {  	[sflag:s8] =	ssyncset.s32 @!p0 $0xFFFFF086;
	s6 =	sadd.s32 @!p0 s3, s7;
	s7 =	simm.s32 @!p0 $0x108  }
0x21: {  	s3 =	sadd.s32 s3, s9;
	s6 =	sadd.s32 @!p0 $0x88, s6;
	s7 =	simm.s32 @p2 $0x1082  }
0x22: {  	[simem:s7], [sflag:s8] =	dma.local @!p0 [hbm:s6], $0xF7A  }
0x23: {  	s9 =	sor.u32 $0xD0000000, s2;
	s6 =	simm.s32 $0x108;
	_ =	swait.ge @!p0 [sflag:s8], $0x0  }
0x24: {  	s3 =	sadd.s32 $0x88, s3;
	s6 =	simm.s32 @!p1 $0x1082;
	[sflag:s4] =	ssyncset.s32 $0xFFFFF086  }
0x25: {  	[simem:s6], [sflag:s4] =	dma.local [hbm:s3], $0xF7A  }
0x26: {  	[smem:$0x3F9D] =	sst s1;
	(tag) =	ssettag s2;
	_ =	strace s9  }
0x27: {  	s1 =	sld [smem:$0x3FAD]  }
0x28: {  	s2 =	sld [smem:$0x3FAE]  }
0x29: {  	s4 =	sld [smem:$0x3FB0]  }
0x2a: {  	p0 =	seq.s32 s5, $0x0;
	s5 =	sld [smem:$0x3FB1]  }
0x2b: {  	s6 =	sld [smem:$0x3FB2]  }
0x2c: {  	s7 =	sld [smem:$0x3FB3]  }
0x2d: {  	s3 =	simm.s32 $0x108;
	s8 =	sld [smem:$0x3FB4]  }
0x2e: {  	s3 =	simm.s32 @!p0 $0x1082;
	s9 =	sld [smem:$0x3FB5]  }
0x2f: {  	lr =	sadd.s32 s0, s3;
	s0 =	sld [smem:$0x3FAC]  }
0x30: {  	s3 =	sld [smem:$0x3FAF]  }
0x31: {  	[smem:$0x3FB8] =	sst s10  }
0x32: {  	s10 =	sld [smem:$0x3FB6];
	_ =	sdelay $0x3  }
0x33: {  	p0 =	seq.s32 s10, $0x1;
	s10 =	sld [smem:$0x3FB8];
	_ =	sdelay $0x3  }
0x34: {  	[smem:$0x3FB8] =	sst s10  }
0x35: {  	s10 =	sld [smem:$0x3FB7];
	_ =	sdelay $0x3  }
0x36: {  	p1 =	seq.s32 s10, $0x1;
	s10 =	sld [smem:$0x3FB8];
	_ =	sdelay $0x3  }
0x37: {  	[smem:$0x3FB8] =	sst s10  }
0x38: {  	s10 =	sld [smem:$0x3FB9]  }
0x39: {  	_ = 	snop;
	(pc) =	sbr.ind lr, $3  }
0x3a: {  	_ = 	snop  }
0x3b: {  	_ = 	snop  }
0x3c: {  	p2 =	seq.s32 s10, $0x1;
	s10 =	sld [smem:$0x3FB8]  }
0x3d: {  	_ =	shalt  }
0x3e: {  	_ =	shalt  }
0x3f: {  	_ =	shalt  }
0x40: {  	_ =	shalt  }
0x41: {  	_ =	shalt  }
0x42: {  	_ =	shalt  }
0x43: {  	_ =	shalt  }
0x44: {  	_ =	shalt  }
0x45: {  	_ =	shalt  }
0x46: {  	_ =	shalt  }
0x47: {  	_ =	shalt  }
0x48: {  	_ =	shalt  }
0x49: {  	_ =	shalt  }
0x4a: {  	_ =	shalt  }
0x4b: {  	_ =	shalt  }
0x4c: {  	_ =	shalt  }
0x4d: {  	_ =	shalt  }
0x4e: {  	_ =	shalt  }
0x4f: {  	_ =	shalt  }
0x50: {  	_ =	shalt  }
0x51: {  	_ =	shalt  }
0x52: {  	_ =	shalt  }
0x53: {  	_ =	shalt  }
0x54: {  	_ =	shalt  }
0x55: {  	_ =	shalt  }
0x56: {  	_ =	shalt  }
0x57: {  	_ =	shalt  }
0x58: {  	_ =	shalt  }
0x59: {  	_ =	shalt  }
0x5a: {  	_ =	shalt  }
0x5b: {  	_ =	shalt  }
0x5c: {  	_ =	shalt  }
0x5d: {  	_ =	shalt  }
0x5e: {  	_ =	shalt  }
0x5f: {  	_ =	shalt  }
0x60: {  	_ =	shalt  }
0x61: {  	_ =	shalt  }
0x62: {  	_ =	shalt  }
0x63: {  	_ =	shalt  }
0x64: {  	_ =	shalt  }
0x65: {  	_ =	shalt  }
0x66: {  	_ =	shalt  }
0x67: {  	_ =	shalt  }
0x68: {  	_ =	shalt  }
0x69: {  	_ =	shalt  }
0x6a: {  	_ =	shalt  }
0x6b: {  	_ =	shalt  }
0x6c: {  	_ =	shalt  }
0x6d: {  	_ =	shalt  }
0x6e: {  	_ =	shalt  }
0x6f: {  	_ =	shalt  }
0x70: {  	_ =	shalt  }
0x71: {  	_ =	shalt  }
0x72: {  	_ =	shalt  }
0x73: {  	_ =	shalt  }
0x74: {  	_ =	shalt  }
0x75: {  	_ =	shalt  }
0x76: {  	_ =	shalt  }
0x77: {  	_ =	shalt  }
0x78: {  	_ =	shalt  }
0x79: {  	_ =	shalt  }
0x7a: {  	_ =	shalt  }
0x7b: {  	_ =	shalt  }
0x7c: {  	_ =	shalt  }
0x7d: {  	_ =	shalt  }
0x7e: {  	_ =	shalt  }
0x7f: {  	_ =	shalt  }
0x80: {  	_ =	shalt  }
0x81: {  	_ =	shalt  }
0x82: {  	_ =	shalt  }
0x83: {  	_ =	shalt  }
0x84: {  	_ =	shalt  }
0x85: {  	_ =	shalt  }
0x86: {  	_ =	shalt  }
0x87: {  	_ =	shalt  }
.Lfunc_end0:
.L_simem_size_0:
called_computation_lowered:
.L_overlay_start_0:
0x88: {  	s2 =	sld [smem:$0x3FD9]  }
0x89: {  	s3 =	sld [smem:$0x3FFE];
	_ =	sdelay $0x1  }
0x8a: {  	s1 =	srdreg.scid  }
0x8b: {  	s0 =	sand.u32 $0x1, s1  }
0x8c: {  	s17 =	sshll.u32 s0, $0xA;
	s2 =	sadd.s32 s3, s2  }
0x8d: {  	s2 =	sadd.s32 s2, s17  }
0x8e: {  	[smem:$0x3FC4] =	sst s2  }
0x8f: {  	_ = 	snop  }
0x90: {  	s2 =	sld [smem:$0x3FC9]  }
0x91: {  	s18 =	sld [smem:$0x3FD0];
	(tm) =	ssettm $0x1  }
0x92: {  	s4 =	sld [smem:$0x3FFB];
	_ =	sdelay $0x3  }
0x93: {  	_ =	strace s4  }
0x94: {  	s4 =	sld [smem:$0x3FFC];
	_ =	sdelay $0x3  }
0x95: {  	_ =	strace s4  }
0x96: {  	s4 =	sld [smem:$0x3FFD];
	_ =	sdelay $0x3  }
0x97: {  	_ =	strace s4  }
0x98: {  	_ =	strace $0x8FFFFFFF  }
0x99: {  	s19 =	sld [smem:$0x3FDB];
	_ =	sdelay $0x1  }
0x9a: {  	s5 =	simm.s32 $_scs_section_size  }
0x9b: {  	s6 =	simm.s32 $_size__tile_overlayer_lowered;
	s7 =	simm.s32 $_tile_overlayer_lowered  }
0x9c: {  	s22 =	simm.s32 $0x1BFF;
	s21 =	sshll.u32 s7, $0x1;
	s4 =	sadd.s32 s5, s19  }
0x9d: {  	s8 =	simm.s32 $0x0;
	s20 =	sshll.u32 s6, $0x1;
	s6 =	sadd.s32 s21, s4  }
0x9e: {  	[timem:s8], [sflag:s22] =	dma.local [hbm:s6], s20  }
0x9f: {  	_ =	swait.ge [sflag:s22], s20  }
0xa0: {  	s5 =	ssub.s32 $0x0, s20;
	[sflag:s22] =	ssyncset.done $0x0  }
0xa1: {  	[sflag:s22] =	ssyncadd.s32 s5;
	_ =	sdelay $0x1  }
0xa2: {  	s23 =	simm.s32 $0x1B8B  }
0xa3: {  	_ =	swait.ge [sflag:s23], $0x1  }
0xa4: {  	[sflag:s23] =	ssyncset.done $0x0  }
0xa5: {  	s25 =	simm.s32 $0x1B8E;
	s24 =	sld [smem:$0x3FFE];
	[sflag:s23] =	ssyncadd.s32 $0xFFFFFFFF  }
0xa6: {  	s26 =	simm.s32 $execute0_lowered;
	[smem:$0x3FD2] =	sst s25  }
0xa7: {  	s6 =	sshll.u32 s26, $0x1;
	_ =	strace $0x80000046;
	[dreg:$0x1] =	wrdreg $0xFFFFFFFF  }
0xa8: {  	s28 =	simm.s32 $_size_execute0_lowered;
	s4 =	sadd.s32 s4, s6;
	[dreg:$0x0] =	wrdreg $0x0  }
0xa9: {  	s6 =	sshll.u32 s28, $0x1;
	[dreg:$0x2] =	wrdreg s4  }
0xaa: {  	[dreg:$0x3] =	wrdreg s6  }
0xab: {  	[dreg:$0x4] =	wrdreg $0xC0  }
0xac: {  	_ =	task [dreg:s8], $0x5FFFF  }
0xad: {  	[dreg:$0x1] =	wrdreg $0xFFFFFFFF  }
0xae: {  	[dreg:$0x0] =	wrdreg $0x60  }
0xaf: {  	[dreg:$0x2] =	wrdreg s2  }
0xb0: {  	[dreg:$0x3] =	wrdreg s18  }
0xb1: {  	[dreg:$0x4] =	wrdreg s24  }
0xb2: {  	[dreg:$0x5] =	wrdreg $0x9  }
0xb3: {  	_ =	task.clear_ibuf [dreg:s8], $0x6FFFF;
	_ =	strace $0x90000046  }
0xb4: {  	s29 =	simm.s32 $0x9;
	_ =	strace $0x80000048  }
0xb5: {  	_ =	swait.ge [sflag:s29], $0x1  }
0xb6: {  	[sflag:s29] =	ssyncadd.s32 $0xFFFFFFFF  }
0xb7: {  	_ =	strace $0x90000048  }
0xb8: {  	_ =	sfence  }
0xb9: {  	s30 =	sld [smem:$0x0];
	_ =	sdelay $0x2  }
0xba: {  	s31 =	sshll.u32 s1, $0xD;
	s1 =	sshrl.u32 s1, $0x2  }
0xbb: {  	s3 =	sand.u32 $0x4000, s31;
	s1 =	sadd.s32 s1, s30  }
0xbc: {  	s0 =	sor.u32 s3, s0;
	s1 =	sshll.u32 s1, $0x11  }
0xbd: {  	s0 =	sor.u32 s1, s0  }
0xbe: {  	s0 =	sadd.s32 $0x8F2B, s0  }
0xbf: {  	[sflag:s0] =	ssyncadd.remote.s32 $0x1  }
0xc0: {  	_ =	sfence.sel $0xFFFF  }
0xc1: {  	[dreg:$0x0] =	wrdreg $0xFFFFFFFF;
	(pc) =	sbr.abs _section_cstart, $3  }
0xc2: {  	[dreg:$0x1] =	wrdreg $0xFFFFFFFF  }
0xc3: {  	_ =	task.clear_ibuf [dreg:s8], $0x2FFFF;
	_ =	strace $0x9FFFFFFF  }
0xc4: {  	(tm) =	ssettm $0x7FFFFFFF  }
0xc5: {  	_ =	shalt  }
tec
execute0_lowered:
.L_overlay_start_1:
0x0: {  	(tag) =	ssettag $0x1  }
0x1: {  	s1 =	rddreg [dreg:$0x0]  }
0x2: {  	s4 =	rddreg [dreg:$0x1]  }
0x3: {  	s5 =	rddreg [dreg:$0x2];
	s2 =	srdreg.scid  }
0x4: {  	s0 =	rddreg [dreg:$0x3];
	s3 =	simm.s32 $0x0;
	s7 =	sand.u32 $0x1, s2  }
0x5: {  	[smem:$0x7FF] =	sst s3;
	s2 =	stileid.u32;
	s6 =	ssub.s32 $0x2, s7  }
0x6: {  	_ =	strace $0x80000047;
	s8 =	sshll.u32 s2, $0xC;
	s28 =	sshll.u32 s2, $0x5  }
0x7: {  	s29 =	sshll.u32 s2, $0x1;
	s10 =	sshll.u32 s7, $0xB;
	s31 =	sshll.u32 s7, $0x4  }
0x8: {  	s9 =	sshrl.u32 s6, $0x1;
	s5 =	sadd.s32 s8, s5;
	s8 =	sadd.s32 s28, s4  }
0x9: {  	s7 =	sor.u32 s7, s29;
	s6 =	ssub.s32 s6, s9;
	s30 =	sadd.s32 s10, s5  }
0xa: {  	s5 =	sadd.s32 s31, s8;
	s4 =	smax.u32 s6, $0x1;
	s6 =	sadd.s32 $0xA00, s30  }
.LBB2_1:
0xb: {  	s8 =	sadd.s32 $0x0, s7  }
0xc: {  	p0 =	sgt.u32 s8, $0x186  }
0xd: {  	s8 =	simm.s32 @!p0 $0x0;
	s9 =	simm.s32 @!p0 $0x3  }
0xe: {  	[tilespmem:s8], [sflag:$0x3] =	stream.linear.gather @!p0 [hbm4b:s5+s8], $0x80, $0x38;
	[tilespmem:$0x4080] =	vst v63  }
0xf: {  	_ =	swait.ge @!p0 [sflag:s9], $0x80  }
0x10: {  	[sflag:s9] =	ssyncset.done @!p0 $0x0;
	p0 =	por p0, p0  }
0x11: {  	[sflag:s9] =	ssyncadd.s32 @!p0 $0xFFFFFF80;
	s10 =	simm.s32 @!p0 $0x80;
	s11 =	simm.s32 @!p0 $0x1  }
0x12: {  	[tilespmem:s10], [sflag:$0x1] =	stream.indirect.gather @!p0 [hbm4b:s1+s10], $0x80, s8, s10, $0xb8;
	[tilespmem:$0x4080] =	vst v63  }
0x13: {  	_ =	swait.ge @!p0 [sflag:s11], $0x4000  }
0x14: {  	[sflag:s11] =	ssyncset.done @!p0 $0x0  }
0x15: {  	s31 =	sadd.s32 $0x20, s7;
	[sflag:s11] =	ssyncadd.s32 @!p0 $0xFFFFC000;
	s11 =	simm.s32 @!p0 $0x2  }
0x16: {  	[hbm4b:s6+s8] =	stream.linear.scatter @!p0 [tilespmem:s10], [sflag:$0x2], $0x4000, $0x38;
	[tilespmem:$0x4080] =	vst v63  }
0x17: {  	p1 =	sgt.u32 s31, $0x186;
	s9 =	simm.s32 $0x40;
	_ =	swait.ge @!p0 [sflag:s11], $0x4000  }
0x18: {  	s8 =	sadd.s32 $0x10000, s6;
	s10 =	sadd.s32 $0x200, s5;
	[sflag:s11] =	ssyncset.done @!p0 $0x0  }
.LBB2_2:
0x19: {  	s12 =	simm.s32 @!p1 $0x0;
	s13 =	simm.s32 @!p1 $0x3;
	[sflag:s11] =	ssyncadd.s32 @!p0 $0xFFFFC000  }
0x1a: {  	[tilespmem:s12], [sflag:$0x3] =	stream.linear.gather @!p1 [hbm4b:s10+s12], $0x80, $0x38;
	[tilespmem:$0x4080] =	vst v63  }
0x1b: {  	s14 =	smov.u32 s9;
	s9 =	sadd.s32 $0x20, s9;
	_ =	swait.ge @!p1 [sflag:s13], $0x80  }
0x1c: {  	p0 =	por p1, p1;
	p2 =	sne.s32 s9, $0x1A0;
	[sflag:s13] =	ssyncset.done @!p1 $0x0  }
0x1d: {  	s11 =	simm.s32 @!p0 $0x1;
	[sflag:s13] =	ssyncadd.s32 @!p0 $0xFFFFFF80;
	s13 =	simm.s32 @!p0 $0x80  }
0x1e: {  	[tilespmem:s13], [sflag:$0x1] =	stream.indirect.gather @!p0 [hbm4b:s1+s13], $0x80, s12, s13, $0xb8;
	[tilespmem:$0x4080] =	vst v63  }
0x1f: {  	_ =	swait.ge @!p0 [sflag:s11], $0x4000  }
.Ltmp0:
0x20: {  	[sflag:s11] =	ssyncset.done @!p0 $0x0;
	(pc) =	sbr.rel @p2 .LBB2_2-.Ltmp0, $4  }
0x21: {  	[sflag:s11] =	ssyncadd.s32 @!p0 $0xFFFFC000;
	s11 =	simm.s32 @!p0 $0x2  }
0x22: {  	[hbm4b:s8+s12] =	stream.linear.scatter @!p0 [tilespmem:s13], [sflag:$0x2], $0x4000, $0x38;
	[tilespmem:$0x4080] =	vst v63  }
0x23: {  	s12 =	sadd.s32 s14, s7;
	s8 =	sadd.s32 $0x10000, s8;
	_ =	swait.ge @!p0 [sflag:s11], $0x4000  }
0x24: {  	s10 =	sadd.s32 $0x200, s10;
	p1 =	sgt.u32 s12, $0x186;
	[sflag:s11] =	ssyncset.done @!p0 $0x0  }
0x25: {  	s9 =	simm.s32 @!p1 $0x0;
	s12 =	simm.s32 @!p1 $0x3;
	[sflag:s11] =	ssyncadd.s32 @!p0 $0xFFFFC000  }
0x26: {  	[tilespmem:s9], [sflag:$0x3] =	stream.linear.gather @!p1 [hbm4b:s10+s9], $0x80, $0x38;
	[tilespmem:$0x4080] =	vst v63  }
0x27: {  	_ =	swait.ge @!p1 [sflag:s12], $0x80  }
0x28: {  	p0 =	por p1, p1;
	[sflag:s12] =	ssyncset.done @!p1 $0x0  }
0x29: {  	s10 =	simm.s32 @!p0 $0x80;
	s11 =	simm.s32 @!p0 $0x1;
	[sflag:s12] =	ssyncadd.s32 @!p0 $0xFFFFFF80  }
0x2a: {  	[tilespmem:s10], [sflag:$0x1] =	stream.indirect.gather @!p0 [hbm4b:s1+s10], $0x80, s9, s10, $0xb8;
	[tilespmem:$0x4080] =	vst v63  }
0x2b: {  	s3 =	sadd.s32 $0x1, s3;
	_ =	swait.ge @!p0 [sflag:s11], $0x4000  }
0x2c: {  	p1 =	sne.s32 s3, s4;
	[sflag:s11] =	ssyncset.done @!p0 $0x0  }
.Ltmp1:
0x2d: {  	[sflag:s11] =	ssyncadd.s32 @!p0 $0xFFFFC000;
	s11 =	simm.s32 @!p0 $0x2;
	(pc) =	sbr.rel @p1 .LBB2_1-.Ltmp1, $4  }
0x2e: {  	[hbm4b:s8+s9] =	stream.linear.scatter @!p0 [tilespmem:s10], [sflag:$0x2], $0x4000, $0x38;
	[tilespmem:$0x4080] =	vst v63  }
0x2f: {  	_ =	swait.ge @!p0 [sflag:s11], $0x4000  }
0x30: {  	[sflag:s11] =	ssyncset.done @!p0 $0x0  }
0x31: {  	[sflag:s11] =	ssyncadd.s32 @!p0 $0xFFFFC000  }
0x32: {  	_ =	sfence.sel $0x180000  }
0x33: {  	[bflag:$0x0] =	sbarrier.arrive $0xFFFF  }
0x34: {  	p0 =	sne.s32 s2, $0x0;
	_ =	strace $0x90000047  }
0x35: {  	s0 =	sadd.s32 @!p0 $0x100000, s0;
	[bflag:$0x2] =	sbarrier.arrive $0xFFFF  }
0x36: {  	[sflag:s0] =	ssyncadd.tile.s32 @!p0 $0x1;
	_ =	shalt  }
.Lfunc_end2:
_tile_overlayer_lowered:
.L_overlay_start_2:
0x37: {  	(tag) =	ssettag $0x2  }
0x38: {  	s0 =	rddreg [dreg:$0x0];
	s2 =	stileid.u32  }
0x39: {  	s1 =	rddreg [dreg:$0x1];
	p0 =	sne.s32 s2, $0x0  }
0x3a: {  	s3 =	rddreg [dreg:$0x2];
	[bflag:$0x3] =	sbarrier.arrive $0xFFFF;
	s2 =	simm.s32 @!p0 $0x1C02  }
0x3b: {  	[timem:s3], [sflag:s2] =	dma.local @!p0 [hbm:s0], s1  }
0x3c: {  	s0 =	simm.s32 @!p0 $0x2  }
0x3d: {  	_ =	swait.ge @!p0 [sflag:s0], s1  }
0x3e: {  	s1 =	ssub.s32 @!p0 $0x0, s1;
	[sflag:s0] =	ssyncset.done @!p0 $0x0  }
0x3f: {  	[sflag:s0] =	ssyncadd.s32 @!p0 s1  }
0x40: {  	[bflag:$0x3] =	sbarrier.arrive $0xFFFF  }
0x41: {  	_ =	shalt  }

</sc_bundles>
